<compile_context>
chip_gen: v7x
topology: tpu7x:2x2x1
jax: 0.10.2.dev20260603
libtpu: 0.0.44.dev20260713+nightly
codegen_flags: <defaults>
</compile_context>

<pallas_src>
import jax
import jax.numpy as jnp
from jax import lax
from jax.experimental import pallas as pl
from jax.experimental.pallas import tpu as pltpu
from jax.experimental.pallas import tpu_sc as plsc

_NC = 1
_NS = 16
_L = 16
_NW = _NC * _NS
_B = 16384
_BPW = _B // _NW
_TABLE = 1001


def _gather_body(tab_hbm, idx_hbm, out_hbm, tab_v, idx_v, out_v, sem_t, sem_i):
    wid = lax.axis_index("s") * _NC + lax.axis_index("c")
    base = wid * _BPW
    ct = pltpu.async_copy(tab_hbm, tab_v, sem_t)
    ci = pltpu.async_copy(idx_hbm.at[pl.ds(base, _BPW)], idx_v, sem_i)
    ct.wait()
    ci.wait()
    chunk = _BPW // 4

    def step(lo):
        def body(i, carry):
            off = lo + i * _L
            idx = idx_v[pl.ds(off, _L)]
            out_v[pl.ds(off, _L)] = plsc.load_gather(tab_v, [idx])
            return carry
        return body

    copies = []
    for k in range(4):
        lax.fori_loop(0, chunk // _L, step(k * chunk), 0, unroll=4)
        copies.append(
            pltpu.async_copy(
                out_v.at[pl.ds(k * chunk, chunk)],
                out_hbm.at[pl.ds(base + k * chunk, chunk)],
                sem_i,
            )
        )
    for co in copies:
        co.wait()


def kernel(t, alpha, alpha_bar):
    del alpha
    mesh = plsc.VectorSubcoreMesh(core_axis_name="c", subcore_axis_name="s", num_cores=1)
    f = pl.kernel(
        _gather_body,
        out_type=jax.ShapeDtypeStruct((_B,), jnp.float32),
        mesh=mesh,
        scratch_types=[
            pltpu.VMEM((_TABLE,), jnp.float32),
            pltpu.VMEM((_BPW,), jnp.int32),
            pltpu.VMEM((_BPW,), jnp.float32),
            pltpu.SemaphoreType.DMA,
            pltpu.SemaphoreType.DMA,
        ],
        compiler_params=pltpu.CompilerParams(needs_layout_passes=False),
    )
    return f(alpha_bar, t)

# --- scband reference (transcript-rebuilt; emitter-appended) ---
"""Pipeline reference for scband-cosine-schedule-88261577933281 (READ-ONLY COPY).

The authoritative reference and input builder live on the scoring server;
editing this copy changes nothing except your own understanding.
"""

import jax, jax.numpy as jnp
import numpy as np
import math

NUM_TIMESTEPS = 1000
S = 0.008
BATCH = 16384

def _build_tables():
    timesteps = jnp.arange(NUM_TIMESTEPS + 1, dtype=jnp.float32)
    f_t = jnp.cos((timesteps / NUM_TIMESTEPS + S) / (1.0 + S) * math.pi * 0.5) ** 2
    f_0 = jnp.cos(S / (1.0 + S) * math.pi * 0.5) ** 2
    alpha_bar = f_t / f_0
    alpha = jnp.concatenate([alpha_bar[:1], alpha_bar[1:] / alpha_bar[:-1]])
    return alpha, alpha_bar

def setup_inputs(seed: int = 0) -> dict:
    key = jax.random.key(seed)
    alpha, alpha_bar = _build_tables()
    t = jax.random.randint(key, (BATCH,), 0, NUM_TIMESTEPS + 1, dtype=jnp.int32)
    return {"t": t, "alpha": alpha, "alpha_bar": alpha_bar}

def reference(t, alpha, alpha_bar):
    # CosineSchedule.get_alpha_bar: gather from precomputed buffer
    # (same lookup structure as get_alpha_t with the alpha buffer)
    alpha_bar_t = jnp.take(alpha_bar, t, axis=0)
    return alpha_bar_t

if __name__ == "__main__":
    import jax
    _d = setup_inputs()
    print(jax.jit(kernel)(*tuple(_d.values())))

</pallas_src>

<mosaic_0001>
#map = affine_map<(d0, d1) -> (0)>
module attributes {stable_mosaic.version = 14 : i64} {
  func.func @_gather_body(%arg0: i32, %arg1: i32, %arg2: memref<1001xf32, #tpu.memory_space<hbm>>, %arg3: memref<16384xi32, #tpu.memory_space<hbm>>, %arg4: memref<16384xf32, #tpu.memory_space<hbm>>, %arg5: memref<1001xf32, #tpu.memory_space<vmem>>, %arg6: memref<1024xi32, #tpu.memory_space<vmem>>, %arg7: memref<1024xf32, #tpu.memory_space<vmem>>, %arg8: memref<!tpu.dma_semaphore, #tpu.memory_space<semaphore_mem>>, %arg9: memref<!tpu.dma_semaphore, #tpu.memory_space<semaphore_mem>>) attributes {dimension_semantics = [#tpu.dimension_semantics<core_parallel>, #tpu.dimension_semantics<subcore_parallel>], iteration_bounds = array<i64: 1, 16>, scalar_prefetch = 0 : i64, scratch_operands = 5 : i64, tpu.core_type = #tpu.core_type<sc_vector_subcore>, window_params = [{transform_indices = #map}, {transform_indices = #map}, {transform_indices = #map}]} {
    %mul3A = arith.constant 1 : i32
    %mul3A_0 = arith.muli %arg1, %mul3A : i32
    %add3A = arith.addi %mul3A_0, %arg0 : i32
    %mul3A_1 = arith.constant 1024 : i32
    %mul3A_2 = arith.muli %add3A, %mul3A_1 : i32
    tpu.enqueue_dma source(%arg2 : memref<1001xf32, #tpu.memory_space<hbm>>) target(%arg5 : memref<1001xf32, #tpu.memory_space<vmem>>) target_semaphore(%arg8 : memref<!tpu.dma_semaphore, #tpu.memory_space<semaphore_mem>>)
    %dma_start3A = tpu.memref_slice %arg3[%mul3A_2] : memref<16384xi32, #tpu.memory_space<hbm>> -> memref<1024xi32, #tpu.memory_space<hbm>>
    %dma_start3A_3 = tpu.memref_slice %arg3[%mul3A_2] : memref<16384xi32, #tpu.memory_space<hbm>> -> memref<1024xi32, #tpu.memory_space<hbm>>
    tpu.enqueue_dma source(%dma_start3A_3 : memref<1024xi32, #tpu.memory_space<hbm>>) target(%arg6 : memref<1024xi32, #tpu.memory_space<vmem>>) target_semaphore(%arg9 : memref<!tpu.dma_semaphore, #tpu.memory_space<semaphore_mem>>)
    tpu.wait_dma2 semaphore(%arg8 : memref<!tpu.dma_semaphore, #tpu.memory_space<semaphore_mem>>) src(%arg2 : memref<1001xf32, #tpu.memory_space<hbm>>) dst(%arg5 : memref<1001xf32, #tpu.memory_space<vmem>>)
    %dma_wait3A = tpu.memref_slice %arg3[%mul3A_2] : memref<16384xi32, #tpu.memory_space<hbm>> -> memref<1024xi32, #tpu.memory_space<hbm>>
    %dma_wait3A_4 = tpu.memref_slice %arg3[%mul3A_2] : memref<16384xi32, #tpu.memory_space<hbm>> -> memref<1024xi32, #tpu.memory_space<hbm>>
    tpu.wait_dma2 semaphore(%arg9 : memref<!tpu.dma_semaphore, #tpu.memory_space<semaphore_mem>>) src(%dma_wait3A_4 : memref<1024xi32, #tpu.memory_space<hbm>>) dst(%arg6 : memref<1024xi32, #tpu.memory_space<vmem>>)
    %scan3A = arith.constant 0 : i32
    %scan3A_5 = arith.constant 0 : i32
    %scan3A_6 = arith.constant 16 : i32
    %scan3A_7 = arith.addi %scan3A_5, %scan3A_6 : i32
    %scan3A_8 = arith.constant 4 : i32
    scf.for %scan3A_84 = %scan3A_5 to %scan3A_7 step %scan3A_8  : i32 {
      %mul3A_85 = arith.constant 16 : i32
      %mul3A_86 = arith.muli %scan3A_84, %mul3A_85 : i32
      %add3A_87 = arith.constant 0 : i32
      %add3A_88 = arith.addi %add3A_87, %mul3A_86 : i32
      %get3A = arith.index_cast %add3A_88 : i32 to index
      %get3A_89 = tpu.vector_load %arg6[%get3A] {strides = array<i32>} : memref<1024xi32, #tpu.memory_space<vmem>>, vector<16xi32>,
      %gather3A = tpu.vector_load_idx %arg5[%get3A_89] : memref<1001xf32, #tpu.memory_space<vmem>>[vector<16xi32>], vector<16xf32>,
      %swap3A = arith.index_cast %add3A_88 : i32 to index
      %swap3A_90 = tpu.vector_load %arg7[%swap3A] {strides = array<i32>} : memref<1024xf32, #tpu.memory_space<vmem>>, vector<16xf32>,
      tpu.vector_store %arg7[%swap3A], %gather3A {strides = array<i32>} : memref<1024xf32, #tpu.memory_space<vmem>>, vector<16xf32>,
      %scan3A_91 = arith.constant 1 : i32
      %scan3A_92 = arith.addi %scan3A_84, %scan3A_91 : i32
      %mul3A_93 = arith.constant 16 : i32
      %mul3A_94 = arith.muli %scan3A_92, %mul3A_93 : i32
      %add3A_95 = arith.constant 0 : i32
      %add3A_96 = arith.addi %add3A_95, %mul3A_94 : i32
      %get3A_97 = arith.index_cast %add3A_96 : i32 to index
      %get3A_98 = tpu.vector_load %arg6[%get3A_97] {strides = array<i32>} : memref<1024xi32, #tpu.memory_space<vmem>>, vector<16xi32>,
      %gather3A_99 = tpu.vector_load_idx %arg5[%get3A_98] : memref<1001xf32, #tpu.memory_space<vmem>>[vector<16xi32>], vector<16xf32>,
      %swap3A_100 = arith.index_cast %add3A_96 : i32 to index
      %swap3A_101 = tpu.vector_load %arg7[%swap3A_100] {strides = array<i32>} : memref<1024xf32, #tpu.memory_space<vmem>>, vector<16xf32>,
      tpu.vector_store %arg7[%swap3A_100], %gather3A_99 {strides = array<i32>} : memref<1024xf32, #tpu.memory_space<vmem>>, vector<16xf32>,
      %scan3A_102 = arith.constant 2 : i32
      %scan3A_103 = arith.addi %scan3A_84, %scan3A_102 : i32
      %mul3A_104 = arith.constant 16 : i32
      %mul3A_105 = arith.muli %scan3A_103, %mul3A_104 : i32
      %add3A_106 = arith.constant 0 : i32
      %add3A_107 = arith.addi %add3A_106, %mul3A_105 : i32
      %get3A_108 = arith.index_cast %add3A_107 : i32 to index
      %get3A_109 = tpu.vector_load %arg6[%get3A_108] {strides = array<i32>} : memref<1024xi32, #tpu.memory_space<vmem>>, vector<16xi32>,
      %gather3A_110 = tpu.vector_load_idx %arg5[%get3A_109] : memref<1001xf32, #tpu.memory_space<vmem>>[vector<16xi32>], vector<16xf32>,
      %swap3A_111 = arith.index_cast %add3A_107 : i32 to index
      %swap3A_112 = tpu.vector_load %arg7[%swap3A_111] {strides = array<i32>} : memref<1024xf32, #tpu.memory_space<vmem>>, vector<16xf32>,
      tpu.vector_store %arg7[%swap3A_111], %gather3A_110 {strides = array<i32>} : memref<1024xf32, #tpu.memory_space<vmem>>, vector<16xf32>,
      %scan3A_113 = arith.constant 3 : i32
      %scan3A_114 = arith.addi %scan3A_84, %scan3A_113 : i32
      %mul3A_115 = arith.constant 16 : i32
      %mul3A_116 = arith.muli %scan3A_114, %mul3A_115 : i32
      %add3A_117 = arith.constant 0 : i32
      %add3A_118 = arith.addi %add3A_117, %mul3A_116 : i32
      %get3A_119 = arith.index_cast %add3A_118 : i32 to index
      %get3A_120 = tpu.vector_load %arg6[%get3A_119] {strides = array<i32>} : memref<1024xi32, #tpu.memory_space<vmem>>, vector<16xi32>,
      %gather3A_121 = tpu.vector_load_idx %arg5[%get3A_120] : memref<1001xf32, #tpu.memory_space<vmem>>[vector<16xi32>], vector<16xf32>,
      %swap3A_122 = arith.index_cast %add3A_118 : i32 to index
      %swap3A_123 = tpu.vector_load %arg7[%swap3A_122] {strides = array<i32>} : memref<1024xf32, #tpu.memory_space<vmem>>, vector<16xf32>,
      tpu.vector_store %arg7[%swap3A_122], %gather3A_121 {strides = array<i32>} : memref<1024xf32, #tpu.memory_space<vmem>>, vector<16xf32>,
    }
    %scan3A_9 = arith.constant 16 : i32
    %add3A_10 = arith.constant 0 : i32
    %add3A_11 = arith.addi %mul3A_2, %add3A_10 : i32
    %dma_start3A_12 = arith.constant 0 : i32
    %dma_start3A_13 = tpu.memref_slice %arg7[%dma_start3A_12] : memref<1024xf32, #tpu.memory_space<vmem>> -> memref<256xf32, #tpu.memory_space<vmem>>
    %dma_start3A_14 = tpu.memref_slice %arg4[%add3A_11] : memref<16384xf32, #tpu.memory_space<hbm>> -> memref<256xf32, #tpu.memory_space<hbm>>
    %dma_start3A_15 = tpu.memref_slice %arg4[%add3A_11] : memref<16384xf32, #tpu.memory_space<hbm>> -> memref<256xf32, #tpu.memory_space<hbm>>
    %dma_start3A_16 = arith.constant 0 : i32
    %dma_start3A_17 = tpu.memref_slice %arg7[%dma_start3A_16] : memref<1024xf32, #tpu.memory_space<vmem>> -> memref<256xf32, #tpu.memory_space<vmem>>
    tpu.enqueue_dma source(%dma_start3A_17 : memref<256xf32, #tpu.memory_space<vmem>>) target(%dma_start3A_15 : memref<256xf32, #tpu.memory_space<hbm>>) target_semaphore(%arg9 : memref<!tpu.dma_semaphore, #tpu.memory_space<semaphore_mem>>)
    %scan3A_18 = arith.constant 0 : i32
    %scan3A_19 = arith.constant 0 : i32
    %scan3A_20 = arith.constant 16 : i32
    %scan3A_21 = arith.addi %scan3A_19, %scan3A_20 : i32
    %scan3A_22 = arith.constant 4 : i32
    scf.for %scan3A_84 = %scan3A_19 to %scan3A_21 step %scan3A_22  : i32 {
      %mul3A_85 = arith.constant 16 : i32
      %mul3A_86 = arith.muli %scan3A_84, %mul3A_85 : i32
      %add3A_87 = arith.constant 256 : i32
      %add3A_88 = arith.addi %add3A_87, %mul3A_86 : i32
      %get3A = arith.index_cast %add3A_88 : i32 to index
      %get3A_89 = tpu.vector_load %arg6[%get3A] {strides = array<i32>} : memref<1024xi32, #tpu.memory_space<vmem>>, vector<16xi32>,
      %gather3A = tpu.vector_load_idx %arg5[%get3A_89] : memref<1001xf32, #tpu.memory_space<vmem>>[vector<16xi32>], vector<16xf32>,
      %swap3A = arith.index_cast %add3A_88 : i32 to index
      %swap3A_90 = tpu.vector_load %arg7[%swap3A] {strides = array<i32>} : memref<1024xf32, #tpu.memory_space<vmem>>, vector<16xf32>,
      tpu.vector_store %arg7[%swap3A], %gather3A {strides = array<i32>} : memref<1024xf32, #tpu.memory_space<vmem>>, vector<16xf32>,
      %scan3A_91 = arith.constant 1 : i32
      %scan3A_92 = arith.addi %scan3A_84, %scan3A_91 : i32
      %mul3A_93 = arith.constant 16 : i32
      %mul3A_94 = arith.muli %scan3A_92, %mul3A_93 : i32
      %add3A_95 = arith.constant 256 : i32
      %add3A_96 = arith.addi %add3A_95, %mul3A_94 : i32
      %get3A_97 = arith.index_cast %add3A_96 : i32 to index
      %get3A_98 = tpu.vector_load %arg6[%get3A_97] {strides = array<i32>} : memref<1024xi32, #tpu.memory_space<vmem>>, vector<16xi32>,
      %gather3A_99 = tpu.vector_load_idx %arg5[%get3A_98] : memref<1001xf32, #tpu.memory_space<vmem>>[vector<16xi32>], vector<16xf32>,
      %swap3A_100 = arith.index_cast %add3A_96 : i32 to index
      %swap3A_101 = tpu.vector_load %arg7[%swap3A_100] {strides = array<i32>} : memref<1024xf32, #tpu.memory_space<vmem>>, vector<16xf32>,
      tpu.vector_store %arg7[%swap3A_100], %gather3A_99 {strides = array<i32>} : memref<1024xf32, #tpu.memory_space<vmem>>, vector<16xf32>,
      %scan3A_102 = arith.constant 2 : i32
      %scan3A_103 = arith.addi %scan3A_84, %scan3A_102 : i32
      %mul3A_104 = arith.constant 16 : i32
      %mul3A_105 = arith.muli %scan3A_103, %mul3A_104 : i32
      %add3A_106 = arith.constant 256 : i32
      %add3A_107 = arith.addi %add3A_106, %mul3A_105 : i32
      %get3A_108 = arith.index_cast %add3A_107 : i32 to index
      %get3A_109 = tpu.vector_load %arg6[%get3A_108] {strides = array<i32>} : memref<1024xi32, #tpu.memory_space<vmem>>, vector<16xi32>,
      %gather3A_110 = tpu.vector_load_idx %arg5[%get3A_109] : memref<1001xf32, #tpu.memory_space<vmem>>[vector<16xi32>], vector<16xf32>,
      %swap3A_111 = arith.index_cast %add3A_107 : i32 to index
      %swap3A_112 = tpu.vector_load %arg7[%swap3A_111] {strides = array<i32>} : memref<1024xf32, #tpu.memory_space<vmem>>, vector<16xf32>,
      tpu.vector_store %arg7[%swap3A_111], %gather3A_110 {strides = array<i32>} : memref<1024xf32, #tpu.memory_space<vmem>>, vector<16xf32>,
      %scan3A_113 = arith.constant 3 : i32
      %scan3A_114 = arith.addi %scan3A_84, %scan3A_113 : i32
      %mul3A_115 = arith.constant 16 : i32
      %mul3A_116 = arith.muli %scan3A_114, %mul3A_115 : i32
      %add3A_117 = arith.constant 256 : i32
      %add3A_118 = arith.addi %add3A_117, %mul3A_116 : i32
      %get3A_119 = arith.index_cast %add3A_118 : i32 to index
      %get3A_120 = tpu.vector_load %arg6[%get3A_119] {strides = array<i32>} : memref<1024xi32, #tpu.memory_space<vmem>>, vector<16xi32>,
      %gather3A_121 = tpu.vector_load_idx %arg5[%get3A_120] : memref<1001xf32, #tpu.memory_space<vmem>>[vector<16xi32>], vector<16xf32>,
      %swap3A_122 = arith.index_cast %add3A_118 : i32 to index
      %swap3A_123 = tpu.vector_load %arg7[%swap3A_122] {strides = array<i32>} : memref<1024xf32, #tpu.memory_space<vmem>>, vector<16xf32>,
      tpu.vector_store %arg7[%swap3A_122], %gather3A_121 {strides = array<i32>} : memref<1024xf32, #tpu.memory_space<vmem>>, vector<16xf32>,
    }
    %scan3A_23 = arith.constant 16 : i32
    %add3A_24 = arith.constant 256 : i32
    %add3A_25 = arith.addi %mul3A_2, %add3A_24 : i32
    %dma_start3A_26 = arith.constant 256 : i32
    %dma_start3A_27 = tpu.memref_slice %arg7[%dma_start3A_26] : memref<1024xf32, #tpu.memory_space<vmem>> -> memref<256xf32, #tpu.memory_space<vmem>>
    %dma_start3A_28 = tpu.memref_slice %arg4[%add3A_25] : memref<16384xf32, #tpu.memory_space<hbm>> -> memref<256xf32, #tpu.memory_space<hbm>>
    %dma_start3A_29 = tpu.memref_slice %arg4[%add3A_25] : memref<16384xf32, #tpu.memory_space<hbm>> -> memref<256xf32, #tpu.memory_space<hbm>>
    %dma_start3A_30 = arith.constant 256 : i32
    %dma_start3A_31 = tpu.memref_slice %arg7[%dma_start3A_30] : memref<1024xf32, #tpu.memory_space<vmem>> -> memref<256xf32, #tpu.memory_space<vmem>>
    tpu.enqueue_dma source(%dma_start3A_31 : memref<256xf32, #tpu.memory_space<vmem>>) target(%dma_start3A_29 : memref<256xf32, #tpu.memory_space<hbm>>) target_semaphore(%arg9 : memref<!tpu.dma_semaphore, #tpu.memory_space<semaphore_mem>>)
    %scan3A_32 = arith.constant 0 : i32
    %scan3A_33 = arith.constant 0 : i32
    %scan3A_34 = arith.constant 16 : i32
    %scan3A_35 = arith.addi %scan3A_33, %scan3A_34 : i32
    %scan3A_36 = arith.constant 4 : i32
    scf.for %scan3A_84 = %scan3A_33 to %scan3A_35 step %scan3A_36  : i32 {
      %mul3A_85 = arith.constant 16 : i32
      %mul3A_86 = arith.muli %scan3A_84, %mul3A_85 : i32
      %add3A_87 = arith.constant 512 : i32
      %add3A_88 = arith.addi %add3A_87, %mul3A_86 : i32
      %get3A = arith.index_cast %add3A_88 : i32 to index
      %get3A_89 = tpu.vector_load %arg6[%get3A] {strides = array<i32>} : memref<1024xi32, #tpu.memory_space<vmem>>, vector<16xi32>,
      %gather3A = tpu.vector_load_idx %arg5[%get3A_89] : memref<1001xf32, #tpu.memory_space<vmem>>[vector<16xi32>], vector<16xf32>,
      %swap3A = arith.index_cast %add3A_88 : i32 to index
      %swap3A_90 = tpu.vector_load %arg7[%swap3A] {strides = array<i32>} : memref<1024xf32, #tpu.memory_space<vmem>>, vector<16xf32>,
      tpu.vector_store %arg7[%swap3A], %gather3A {strides = array<i32>} : memref<1024xf32, #tpu.memory_space<vmem>>, vector<16xf32>,
      %scan3A_91 = arith.constant 1 : i32
      %scan3A_92 = arith.addi %scan3A_84, %scan3A_91 : i32
      %mul3A_93 = arith.constant 16 : i32
      %mul3A_94 = arith.muli %scan3A_92, %mul3A_93 : i32
      %add3A_95 = arith.constant 512 : i32
      %add3A_96 = arith.addi %add3A_95, %mul3A_94 : i32
      %get3A_97 = arith.index_cast %add3A_96 : i32 to index
      %get3A_98 = tpu.vector_load %arg6[%get3A_97] {strides = array<i32>} : memref<1024xi32, #tpu.memory_space<vmem>>, vector<16xi32>,
      %gather3A_99 = tpu.vector_load_idx %arg5[%get3A_98] : memref<1001xf32, #tpu.memory_space<vmem>>[vector<16xi32>], vector<16xf32>,
      %swap3A_100 = arith.index_cast %add3A_96 : i32 to index
      %swap3A_101 = tpu.vector_load %arg7[%swap3A_100] {strides = array<i32>} : memref<1024xf32, #tpu.memory_space<vmem>>, vector<16xf32>,
      tpu.vector_store %arg7[%swap3A_100], %gather3A_99 {strides = array<i32>} : memref<1024xf32, #tpu.memory_space<vmem>>, vector<16xf32>,
      %scan3A_102 = arith.constant 2 : i32
      %scan3A_103 = arith.addi %scan3A_84, %scan3A_102 : i32
      %mul3A_104 = arith.constant 16 : i32
      %mul3A_105 = arith.muli %scan3A_103, %mul3A_104 : i32
      %add3A_106 = arith.constant 512 : i32
      %add3A_107 = arith.addi %add3A_106, %mul3A_105 : i32
      %get3A_108 = arith.index_cast %add3A_107 : i32 to index
      %get3A_109 = tpu.vector_load %arg6[%get3A_108] {strides = array<i32>} : memref<1024xi32, #tpu.memory_space<vmem>>, vector<16xi32>,
      %gather3A_110 = tpu.vector_load_idx %arg5[%get3A_109] : memref<1001xf32, #tpu.memory_space<vmem>>[vector<16xi32>], vector<16xf32>,
      %swap3A_111 = arith.index_cast %add3A_107 : i32 to index
      %swap3A_112 = tpu.vector_load %arg7[%swap3A_111] {strides = array<i32>} : memref<1024xf32, #tpu.memory_space<vmem>>, vector<16xf32>,
      tpu.vector_store %arg7[%swap3A_111], %gather3A_110 {strides = array<i32>} : memref<1024xf32, #tpu.memory_space<vmem>>, vector<16xf32>,
      %scan3A_113 = arith.constant 3 : i32
      %scan3A_114 = arith.addi %scan3A_84, %scan3A_113 : i32
      %mul3A_115 = arith.constant 16 : i32
      %mul3A_116 = arith.muli %scan3A_114, %mul3A_115 : i32
      %add3A_117 = arith.constant 512 : i32
      %add3A_118 = arith.addi %add3A_117, %mul3A_116 : i32
      %get3A_119 = arith.index_cast %add3A_118 : i32 to index
      %get3A_120 = tpu.vector_load %arg6[%get3A_119] {strides = array<i32>} : memref<1024xi32, #tpu.memory_space<vmem>>, vector<16xi32>,
      %gather3A_121 = tpu.vector_load_idx %arg5[%get3A_120] : memref<1001xf32, #tpu.memory_space<vmem>>[vector<16xi32>], vector<16xf32>,
      %swap3A_122 = arith.index_cast %add3A_118 : i32 to index
      %swap3A_123 = tpu.vector_load %arg7[%swap3A_122] {strides = array<i32>} : memref<1024xf32, #tpu.memory_space<vmem>>, vector<16xf32>,
      tpu.vector_store %arg7[%swap3A_122], %gather3A_121 {strides = array<i32>} : memref<1024xf32, #tpu.memory_space<vmem>>, vector<16xf32>,
    }
    %scan3A_37 = arith.constant 16 : i32
    %add3A_38 = arith.constant 512 : i32
    %add3A_39 = arith.addi %mul3A_2, %add3A_38 : i32
    %dma_start3A_40 = arith.constant 512 : i32
    %dma_start3A_41 = tpu.memref_slice %arg7[%dma_start3A_40] : memref<1024xf32, #tpu.memory_space<vmem>> -> memref<256xf32, #tpu.memory_space<vmem>>
    %dma_start3A_42 = tpu.memref_slice %arg4[%add3A_39] : memref<16384xf32, #tpu.memory_space<hbm>> -> memref<256xf32, #tpu.memory_space<hbm>>
    %dma_start3A_43 = tpu.memref_slice %arg4[%add3A_39] : memref<16384xf32, #tpu.memory_space<hbm>> -> memref<256xf32, #tpu.memory_space<hbm>>
    %dma_start3A_44 = arith.constant 512 : i32
    %dma_start3A_45 = tpu.memref_slice %arg7[%dma_start3A_44] : memref<1024xf32, #tpu.memory_space<vmem>> -> memref<256xf32, #tpu.memory_space<vmem>>
    tpu.enqueue_dma source(%dma_start3A_45 : memref<256xf32, #tpu.memory_space<vmem>>) target(%dma_start3A_43 : memref<256xf32, #tpu.memory_space<hbm>>) target_semaphore(%arg9 : memref<!tpu.dma_semaphore, #tpu.memory_space<semaphore_mem>>)
    %scan3A_46 = arith.constant 0 : i32
    %scan3A_47 = arith.constant 0 : i32
    %scan3A_48 = arith.constant 16 : i32
    %scan3A_49 = arith.addi %scan3A_47, %scan3A_48 : i32
    %scan3A_50 = arith.constant 4 : i32
    scf.for %scan3A_84 = %scan3A_47 to %scan3A_49 step %scan3A_50  : i32 {
      %mul3A_85 = arith.constant 16 : i32
      %mul3A_86 = arith.muli %scan3A_84, %mul3A_85 : i32
      %add3A_87 = arith.constant 768 : i32
      %add3A_88 = arith.addi %add3A_87, %mul3A_86 : i32
      %get3A = arith.index_cast %add3A_88 : i32 to index
      %get3A_89 = tpu.vector_load %arg6[%get3A] {strides = array<i32>} : memref<1024xi32, #tpu.memory_space<vmem>>, vector<16xi32>,
      %gather3A = tpu.vector_load_idx %arg5[%get3A_89] : memref<1001xf32, #tpu.memory_space<vmem>>[vector<16xi32>], vector<16xf32>,
      %swap3A = arith.index_cast %add3A_88 : i32 to index
      %swap3A_90 = tpu.vector_load %arg7[%swap3A] {strides = array<i32>} : memref<1024xf32, #tpu.memory_space<vmem>>, vector<16xf32>,
      tpu.vector_store %arg7[%swap3A], %gather3A {strides = array<i32>} : memref<1024xf32, #tpu.memory_space<vmem>>, vector<16xf32>,
      %scan3A_91 = arith.constant 1 : i32
      %scan3A_92 = arith.addi %scan3A_84, %scan3A_91 : i32
      %mul3A_93 = arith.constant 16 : i32
      %mul3A_94 = arith.muli %scan3A_92, %mul3A_93 : i32
      %add3A_95 = arith.constant 768 : i32
      %add3A_96 = arith.addi %add3A_95, %mul3A_94 : i32
      %get3A_97 = arith.index_cast %add3A_96 : i32 to index
      %get3A_98 = tpu.vector_load %arg6[%get3A_97] {strides = array<i32>} : memref<1024xi32, #tpu.memory_space<vmem>>, vector<16xi32>,
      %gather3A_99 = tpu.vector_load_idx %arg5[%get3A_98] : memref<1001xf32, #tpu.memory_space<vmem>>[vector<16xi32>], vector<16xf32>,
      %swap3A_100 = arith.index_cast %add3A_96 : i32 to index
      %swap3A_101 = tpu.vector_load %arg7[%swap3A_100] {strides = array<i32>} : memref<1024xf32, #tpu.memory_space<vmem>>, vector<16xf32>,
      tpu.vector_store %arg7[%swap3A_100], %gather3A_99 {strides = array<i32>} : memref<1024xf32, #tpu.memory_space<vmem>>, vector<16xf32>,
      %scan3A_102 = arith.constant 2 : i32
      %scan3A_103 = arith.addi %scan3A_84, %scan3A_102 : i32
      %mul3A_104 = arith.constant 16 : i32
      %mul3A_105 = arith.muli %scan3A_103, %mul3A_104 : i32
      %add3A_106 = arith.constant 768 : i32
      %add3A_107 = arith.addi %add3A_106, %mul3A_105 : i32
      %get3A_108 = arith.index_cast %add3A_107 : i32 to index
      %get3A_109 = tpu.vector_load %arg6[%get3A_108] {strides = array<i32>} : memref<1024xi32, #tpu.memory_space<vmem>>, vector<16xi32>,
      %gather3A_110 = tpu.vector_load_idx %arg5[%get3A_109] : memref<1001xf32, #tpu.memory_space<vmem>>[vector<16xi32>], vector<16xf32>,
      %swap3A_111 = arith.index_cast %add3A_107 : i32 to index
      %swap3A_112 = tpu.vector_load %arg7[%swap3A_111] {strides = array<i32>} : memref<1024xf32, #tpu.memory_space<vmem>>, vector<16xf32>,
      tpu.vector_store %arg7[%swap3A_111], %gather3A_110 {strides = array<i32>} : memref<1024xf32, #tpu.memory_space<vmem>>, vector<16xf32>,
      %scan3A_113 = arith.constant 3 : i32
      %scan3A_114 = arith.addi %scan3A_84, %scan3A_113 : i32
      %mul3A_115 = arith.constant 16 : i32
      %mul3A_116 = arith.muli %scan3A_114, %mul3A_115 : i32
      %add3A_117 = arith.constant 768 : i32
      %add3A_118 = arith.addi %add3A_117, %mul3A_116 : i32
      %get3A_119 = arith.index_cast %add3A_118 : i32 to index
      %get3A_120 = tpu.vector_load %arg6[%get3A_119] {strides = array<i32>} : memref<1024xi32, #tpu.memory_space<vmem>>, vector<16xi32>,
      %gather3A_121 = tpu.vector_load_idx %arg5[%get3A_120] : memref<1001xf32, #tpu.memory_space<vmem>>[vector<16xi32>], vector<16xf32>,
      %swap3A_122 = arith.index_cast %add3A_118 : i32 to index
      %swap3A_123 = tpu.vector_load %arg7[%swap3A_122] {strides = array<i32>} : memref<1024xf32, #tpu.memory_space<vmem>>, vector<16xf32>,
      tpu.vector_store %arg7[%swap3A_122], %gather3A_121 {strides = array<i32>} : memref<1024xf32, #tpu.memory_space<vmem>>, vector<16xf32>,
    }
    %scan3A_51 = arith.constant 16 : i32
    %add3A_52 = arith.constant 768 : i32
    %add3A_53 = arith.addi %mul3A_2, %add3A_52 : i32
    %dma_start3A_54 = arith.constant 768 : i32
    %dma_start3A_55 = tpu.memref_slice %arg7[%dma_start3A_54] : memref<1024xf32, #tpu.memory_space<vmem>> -> memref<256xf32, #tpu.memory_space<vmem>>
    %dma_start3A_56 = tpu.memref_slice %arg4[%add3A_53] : memref<16384xf32, #tpu.memory_space<hbm>> -> memref<256xf32, #tpu.memory_space<hbm>>
    %dma_start3A_57 = tpu.memref_slice %arg4[%add3A_53] : memref<16384xf32, #tpu.memory_space<hbm>> -> memref<256xf32, #tpu.memory_space<hbm>>
    %dma_start3A_58 = arith.constant 768 : i32
    %dma_start3A_59 = tpu.memref_slice %arg7[%dma_start3A_58] : memref<1024xf32, #tpu.memory_space<vmem>> -> memref<256xf32, #tpu.memory_space<vmem>>
    tpu.enqueue_dma source(%dma_start3A_59 : memref<256xf32, #tpu.memory_space<vmem>>) target(%dma_start3A_57 : memref<256xf32, #tpu.memory_space<hbm>>) target_semaphore(%arg9 : memref<!tpu.dma_semaphore, #tpu.memory_space<semaphore_mem>>)
    %dma_wait3A_60 = arith.constant 0 : i32
    %dma_wait3A_61 = tpu.memref_slice %arg7[%dma_wait3A_60] : memref<1024xf32, #tpu.memory_space<vmem>> -> memref<256xf32, #tpu.memory_space<vmem>>
    %dma_wait3A_62 = tpu.memref_slice %arg4[%add3A_11] : memref<16384xf32, #tpu.memory_space<hbm>> -> memref<256xf32, #tpu.memory_space<hbm>>
    %dma_wait3A_63 = tpu.memref_slice %arg4[%add3A_11] : memref<16384xf32, #tpu.memory_space<hbm>> -> memref<256xf32, #tpu.memory_space<hbm>>
    %dma_wait3A_64 = arith.constant 0 : i32
    %dma_wait3A_65 = tpu.memref_slice %arg7[%dma_wait3A_64] : memref<1024xf32, #tpu.memory_space<vmem>> -> memref<256xf32, #tpu.memory_space<vmem>>
    tpu.wait_dma2 semaphore(%arg9 : memref<!tpu.dma_semaphore, #tpu.memory_space<semaphore_mem>>) src(%dma_wait3A_65 : memref<256xf32, #tpu.memory_space<vmem>>) dst(%dma_wait3A_63 : memref<256xf32, #tpu.memory_space<hbm>>)
    %dma_wait3A_66 = arith.constant 256 : i32
    %dma_wait3A_67 = tpu.memref_slice %arg7[%dma_wait3A_66] : memref<1024xf32, #tpu.memory_space<vmem>> -> memref<256xf32, #tpu.memory_space<vmem>>
    %dma_wait3A_68 = tpu.memref_slice %arg4[%add3A_25] : memref<16384xf32, #tpu.memory_space<hbm>> -> memref<256xf32, #tpu.memory_space<hbm>>
    %dma_wait3A_69 = tpu.memref_slice %arg4[%add3A_25] : memref<16384xf32, #tpu.memory_space<hbm>> -> memref<256xf32, #tpu.memory_space<hbm>>
    %dma_wait3A_70 = arith.constant 256 : i32
    %dma_wait3A_71 = tpu.memref_slice %arg7[%dma_wait3A_70] : memref<1024xf32, #tpu.memory_space<vmem>> -> memref<256xf32, #tpu.memory_space<vmem>>
    tpu.wait_dma2 semaphore(%arg9 : memref<!tpu.dma_semaphore, #tpu.memory_space<semaphore_mem>>) src(%dma_wait3A_71 : memref<256xf32, #tpu.memory_space<vmem>>) dst(%dma_wait3A_69 : memref<256xf32, #tpu.memory_space<hbm>>)
    %dma_wait3A_72 = arith.constant 512 : i32
    %dma_wait3A_73 = tpu.memref_slice %arg7[%dma_wait3A_72] : memref<1024xf32, #tpu.memory_space<vmem>> -> memref<256xf32, #tpu.memory_space<vmem>>
    %dma_wait3A_74 = tpu.memref_slice %arg4[%add3A_39] : memref<16384xf32, #tpu.memory_space<hbm>> -> memref<256xf32, #tpu.memory_space<hbm>>
    %dma_wait3A_75 = tpu.memref_slice %arg4[%add3A_39] : memref<16384xf32, #tpu.memory_space<hbm>> -> memref<256xf32, #tpu.memory_space<hbm>>
    %dma_wait3A_76 = arith.constant 512 : i32
    %dma_wait3A_77 = tpu.memref_slice %arg7[%dma_wait3A_76] : memref<1024xf32, #tpu.memory_space<vmem>> -> memref<256xf32, #tpu.memory_space<vmem>>
    tpu.wait_dma2 semaphore(%arg9 : memref<!tpu.dma_semaphore, #tpu.memory_space<semaphore_mem>>) src(%dma_wait3A_77 : memref<256xf32, #tpu.memory_space<vmem>>) dst(%dma_wait3A_75 : memref<256xf32, #tpu.memory_space<hbm>>)
    %dma_wait3A_78 = arith.constant 768 : i32
    %dma_wait3A_79 = tpu.memref_slice %arg7[%dma_wait3A_78] : memref<1024xf32, #tpu.memory_space<vmem>> -> memref<256xf32, #tpu.memory_space<vmem>>
    %dma_wait3A_80 = tpu.memref_slice %arg4[%add3A_53] : memref<16384xf32, #tpu.memory_space<hbm>> -> memref<256xf32, #tpu.memory_space<hbm>>
    %dma_wait3A_81 = tpu.memref_slice %arg4[%add3A_53] : memref<16384xf32, #tpu.memory_space<hbm>> -> memref<256xf32, #tpu.memory_space<hbm>>
    %dma_wait3A_82 = arith.constant 768 : i32
    %dma_wait3A_83 = tpu.memref_slice %arg7[%dma_wait3A_82] : memref<1024xf32, #tpu.memory_space<vmem>> -> memref<256xf32, #tpu.memory_space<vmem>>
    tpu.wait_dma2 semaphore(%arg9 : memref<!tpu.dma_semaphore, #tpu.memory_space<semaphore_mem>>) src(%dma_wait3A_83 : memref<256xf32, #tpu.memory_space<vmem>>) dst(%dma_wait3A_81 : memref<256xf32, #tpu.memory_space<hbm>>)
    return
  }
}

</mosaic_0001>

<sc_bundles>
// kernel: kernel.3.cloned.1.call-start
scs
__scs_entry_jumppad:
0x0: {  	(pc) =	sbr.rel $0x88, $3  }
0x1: {  	(tag) =	ssettag $0x0;
	lr =	simm.s32 $0x1  }
0x2: {  	[smem:$0x3F9F] =	sst lr;
	_ =	strace $0xD0000000  }
0x3: {  	_ = 	snop  }
0x4: {  	_ = 	snop  }
0x5: {  	_ = 	snop  }
0x6: {  	_ = 	snop  }
0x7: {  	_ = 	snop  }
__scs_overlays_trampoline_lowered:
0x8: {  	[smem:$0x3FAE] =	sst s0  }
0x9: {  	[smem:$0x3FAF] =	sst s1  }
0xa: {  	[smem:$0x3FB0] =	sst s2  }
0xb: {  	[smem:$0x3FB1] =	sst s3  }
0xc: {  	[smem:$0x3FB2] =	sst s4  }
0xd: {  	[smem:$0x3FB3] =	sst s5  }
0xe: {  	[smem:$0x3FB4] =	sst s6  }
0xf: {  	[smem:$0x3FB5] =	sst s7  }
0x10: {  	[smem:$0x3FB6] =	sst s8  }
0x11: {  	[smem:$0x3FB7] =	sst s9;
	s0 =	simm.s32 @!p0 $0x0  }
0x12: {  	s1 =	sld [smem:$0x3F9D];
	s0 =	simm.s32 @p0 $0x1  }
0x13: {  	[smem:$0x3FB8] =	sst s0;
	s0 =	simm.s32 @!p1 $0x0  }
0x14: {  	s2 =	sld [smem:$0x3F9C];
	s0 =	simm.s32 @p1 $0x1  }
0x15: {  	[smem:$0x3FB9] =	sst s0;
	s0 =	simm.s32 @!p2 $0x0  }
0x16: {  	s3 =	sld [smem:$0x3FDB];
	s0 =	simm.s32 @p2 $0x1  }
0x17: {  	s4 =	simm.s32 $0x1BF5;
	[smem:$0x3FBB] =	sst s0  }
0x18: {  	s0 =	sld [smem:$0x3F9E];
	_ =	swait.ge [sflag:s4], $0x0  }
0x19: {  	s7 =	sld [smem:$0x3F9F]  }
0x1a: {  	s8 =	sadd.s32 $0xFFFFE003, lr  }
0x1b: {  	s9 =	sadd.s32 $0xFFFFFEF7, lr;
	s5 =	simm.s32 $0xFFFFFFFF;
	p2 =	slt.u32 s8, $0xFFFFF086  }
0x1c: {  	p1 =	slt.u32 s9, $0xF7A;
	s5 =	simm.s32 @!p2 $0x0  }
0x1d: {  	s5 =	simm.s32 @p1 $0x1;
	p0 =	seq.s32 s7, s2  }
0x1e: {  	s7 =	smul.u32 @!p0 $0xF7A, s2;
	p2 =	seq.s32 @!p0 s5, $0x0  }
0x1f: {  	s9 =	smul.u32 $0xF7A, s1;
	s8 =	simm.s32 @!p0 $0x1BF5;
	p2 =	por !p2, p0  }
0x20: {  	[sflag:s8] =	ssyncset.s32 @!p0 $0xFFFFF086;
	s6 =	sadd.s32 @!p0 s3, s7;
	s7 =	simm.s32 @!p0 $0x108  }
0x21: {  	s3 =	sadd.s32 s3, s9;
	s6 =	sadd.s32 @!p0 $0x88, s6;
	s7 =	simm.s32 @p2 $0x1082  }
0x22: {  	[simem:s7], [sflag:s8] =	dma.local @!p0 [hbm:s6], $0xF7A  }
0x23: {  	s9 =	sor.u32 $0xD0000000, s2;
	s6 =	simm.s32 $0x108;
	_ =	swait.ge @!p0 [sflag:s8], $0x0  }
0x24: {  	s3 =	sadd.s32 $0x88, s3;
	s6 =	simm.s32 @!p1 $0x1082;
	[sflag:s4] =	ssyncset.s32 $0xFFFFF086  }
0x25: {  	[simem:s6], [sflag:s4] =	dma.local [hbm:s3], $0xF7A  }
0x26: {  	[smem:$0x3F9F] =	sst s1;
	(tag) =	ssettag s2;
	_ =	strace s9  }
0x27: {  	s1 =	sld [smem:$0x3FAF]  }
0x28: {  	s2 =	sld [smem:$0x3FB0]  }
0x29: {  	s4 =	sld [smem:$0x3FB2]  }
0x2a: {  	p0 =	seq.s32 s5, $0x0;
	s5 =	sld [smem:$0x3FB3]  }
0x2b: {  	s6 =	sld [smem:$0x3FB4]  }
0x2c: {  	s7 =	sld [smem:$0x3FB5]  }
0x2d: {  	s3 =	simm.s32 $0x108;
	s8 =	sld [smem:$0x3FB6]  }
0x2e: {  	s3 =	simm.s32 @!p0 $0x1082;
	s9 =	sld [smem:$0x3FB7]  }
0x2f: {  	lr =	sadd.s32 s0, s3;
	s0 =	sld [smem:$0x3FAE]  }
0x30: {  	s3 =	sld [smem:$0x3FB1]  }
0x31: {  	[smem:$0x3FBA] =	sst s10  }
0x32: {  	s10 =	sld [smem:$0x3FB8];
	_ =	sdelay $0x3  }
0x33: {  	p0 =	seq.s32 s10, $0x1;
	s10 =	sld [smem:$0x3FBA];
	_ =	sdelay $0x3  }
0x34: {  	[smem:$0x3FBA] =	sst s10  }
0x35: {  	s10 =	sld [smem:$0x3FB9];
	_ =	sdelay $0x3  }
0x36: {  	p1 =	seq.s32 s10, $0x1;
	s10 =	sld [smem:$0x3FBA];
	_ =	sdelay $0x3  }
0x37: {  	[smem:$0x3FBA] =	sst s10  }
0x38: {  	s10 =	sld [smem:$0x3FBB]  }
0x39: {  	_ = 	snop;
	(pc) =	sbr.ind lr, $3  }
0x3a: {  	_ = 	snop  }
0x3b: {  	_ = 	snop  }
0x3c: {  	p2 =	seq.s32 s10, $0x1;
	s10 =	sld [smem:$0x3FBA]  }
0x3d: {  	_ =	shalt  }
0x3e: {  	_ =	shalt  }
0x3f: {  	_ =	shalt  }
0x40: {  	_ =	shalt  }
0x41: {  	_ =	shalt  }
0x42: {  	_ =	shalt  }
0x43: {  	_ =	shalt  }
0x44: {  	_ =	shalt  }
0x45: {  	_ =	shalt  }
0x46: {  	_ =	shalt  }
0x47: {  	_ =	shalt  }
0x48: {  	_ =	shalt  }
0x49: {  	_ =	shalt  }
0x4a: {  	_ =	shalt  }
0x4b: {  	_ =	shalt  }
0x4c: {  	_ =	shalt  }
0x4d: {  	_ =	shalt  }
0x4e: {  	_ =	shalt  }
0x4f: {  	_ =	shalt  }
0x50: {  	_ =	shalt  }
0x51: {  	_ =	shalt  }
0x52: {  	_ =	shalt  }
0x53: {  	_ =	shalt  }
0x54: {  	_ =	shalt  }
0x55: {  	_ =	shalt  }
0x56: {  	_ =	shalt  }
0x57: {  	_ =	shalt  }
0x58: {  	_ =	shalt  }
0x59: {  	_ =	shalt  }
0x5a: {  	_ =	shalt  }
0x5b: {  	_ =	shalt  }
0x5c: {  	_ =	shalt  }
0x5d: {  	_ =	shalt  }
0x5e: {  	_ =	shalt  }
0x5f: {  	_ =	shalt  }
0x60: {  	_ =	shalt  }
0x61: {  	_ =	shalt  }
0x62: {  	_ =	shalt  }
0x63: {  	_ =	shalt  }
0x64: {  	_ =	shalt  }
0x65: {  	_ =	shalt  }
0x66: {  	_ =	shalt  }
0x67: {  	_ =	shalt  }
0x68: {  	_ =	shalt  }
0x69: {  	_ =	shalt  }
0x6a: {  	_ =	shalt  }
0x6b: {  	_ =	shalt  }
0x6c: {  	_ =	shalt  }
0x6d: {  	_ =	shalt  }
0x6e: {  	_ =	shalt  }
0x6f: {  	_ =	shalt  }
0x70: {  	_ =	shalt  }
0x71: {  	_ =	shalt  }
0x72: {  	_ =	shalt  }
0x73: {  	_ =	shalt  }
0x74: {  	_ =	shalt  }
0x75: {  	_ =	shalt  }
0x76: {  	_ =	shalt  }
0x77: {  	_ =	shalt  }
0x78: {  	_ =	shalt  }
0x79: {  	_ =	shalt  }
0x7a: {  	_ =	shalt  }
0x7b: {  	_ =	shalt  }
0x7c: {  	_ =	shalt  }
0x7d: {  	_ =	shalt  }
0x7e: {  	_ =	shalt  }
0x7f: {  	_ =	shalt  }
0x80: {  	_ =	shalt  }
0x81: {  	_ =	shalt  }
0x82: {  	_ =	shalt  }
0x83: {  	_ =	shalt  }
0x84: {  	_ =	shalt  }
0x85: {  	_ =	shalt  }
0x86: {  	_ =	shalt  }
0x87: {  	_ =	shalt  }
.Lfunc_end0:
.L_simem_size_0:
called_computation_lowered:
.L_overlay_start_0:
0x88: {  	s0 =	sld [smem:$0x3FD9]  }
0x89: {  	s1 =	sld [smem:$0x3FFE];
	_ =	sdelay $0x3  }
0x8a: {  	s0 =	sadd.s32 s1, s0  }
0x8b: {  	[smem:$0x3FC6] =	sst s0  }
0x8c: {  	_ = 	snop  }
0x8d: {  	s0 =	sld [smem:$0x3FC9]  }
0x8e: {  	s17 =	sld [smem:$0x3FC8]  }
0x8f: {  	s2 =	sld [smem:$0x3FD0];
	(tm) =	ssettm $0x1  }
0x90: {  	s3 =	sld [smem:$0x3FFB];
	_ =	sdelay $0x3  }
0x91: {  	_ =	strace s3  }
0x92: {  	s3 =	sld [smem:$0x3FFC];
	_ =	sdelay $0x3  }
0x93: {  	_ =	strace s3  }
0x94: {  	s3 =	sld [smem:$0x3FFD];
	_ =	sdelay $0x3  }
0x95: {  	_ =	strace s3  }
0x96: {  	_ =	strace $0x8FFFFFFF  }
0x97: {  	s18 =	sld [smem:$0x3FDB];
	_ =	sdelay $0x1  }
0x98: {  	s4 =	simm.s32 $_scs_section_size  }
0x99: {  	s5 =	simm.s32 $_size__tile_overlayer_lowered;
	s6 =	simm.s32 $_tile_overlayer_lowered  }
0x9a: {  	s21 =	simm.s32 $0x1BFF;
	s20 =	sshll.u32 s6, $0x1;
	s3 =	sadd.s32 s4, s18  }
0x9b: {  	s7 =	simm.s32 $0x0;
	s19 =	sshll.u32 s5, $0x1;
	s5 =	sadd.s32 s20, s3  }
0x9c: {  	[timem:s7], [sflag:s21] =	dma.local [hbm:s5], s19  }
0x9d: {  	_ =	swait.ge [sflag:s21], s19  }
0x9e: {  	s4 =	ssub.s32 $0x0, s19;
	[sflag:s21] =	ssyncset.done $0x0  }
0x9f: {  	[sflag:s21] =	ssyncadd.s32 s4;
	_ =	sdelay $0x1  }
0xa0: {  	s22 =	simm.s32 $0x1B8B  }
0xa1: {  	_ =	swait.ge [sflag:s22], $0x1  }
0xa2: {  	[sflag:s22] =	ssyncset.done $0x0  }
0xa3: {  	s23 =	simm.s32 $0x1B8E;
	[sflag:s22] =	ssyncadd.s32 $0xFFFFFFFF  }
0xa4: {  	s24 =	simm.s32 $execute0_lowered;
	[smem:$0x3FD2] =	sst s23  }
0xa5: {  	s4 =	sshll.u32 s24, $0x1;
	_ =	strace $0x80000046;
	[dreg:$0x1] =	wrdreg $0xFFFFFFFF  }
0xa6: {  	s25 =	simm.s32 $_size_execute0_lowered;
	s3 =	sadd.s32 s3, s4;
	[dreg:$0x0] =	wrdreg $0x0  }
0xa7: {  	s4 =	sshll.u32 s25, $0x1;
	[dreg:$0x2] =	wrdreg s3  }
0xa8: {  	[dreg:$0x3] =	wrdreg s4  }
0xa9: {  	[dreg:$0x4] =	wrdreg $0xC0  }
0xaa: {  	_ =	task [dreg:s7], $0x5FFFF  }
0xab: {  	[dreg:$0x1] =	wrdreg $0xFFFFFFFF  }
0xac: {  	[dreg:$0x0] =	wrdreg $0x60  }
0xad: {  	[dreg:$0x2] =	wrdreg s17  }
0xae: {  	[dreg:$0x3] =	wrdreg s0  }
0xaf: {  	[dreg:$0x4] =	wrdreg s2  }
0xb0: {  	[dreg:$0x5] =	wrdreg $0x9  }
0xb1: {  	_ =	task.clear_ibuf [dreg:s7], $0x6FFFF;
	_ =	strace $0x90000046  }
0xb2: {  	s26 =	simm.s32 $0x9;
	_ =	strace $0x80000048  }
0xb3: {  	_ =	swait.ge [sflag:s26], $0x1  }
0xb4: {  	[sflag:s26] =	ssyncadd.s32 $0xFFFFFFFF  }
0xb5: {  	_ =	strace $0x90000048  }
0xb6: {  	_ =	sfence  }
0xb7: {  	s28 =	sld [smem:$0x0];
	_ =	sdelay $0x1  }
0xb8: {  	s29 =	srdreg.scid  }
0xb9: {  	s30 =	sshll.u32 s29, $0xD;
	s31 =	sshrl.u32 s29, $0x2  }
0xba: {  	s1 =	sand.u32 $0x1, s29;
	s2 =	sand.u32 $0x4000, s30;
	s0 =	sadd.s32 s31, s28  }
0xbb: {  	s1 =	sor.u32 s2, s1;
	s0 =	sshll.u32 s0, $0x11  }
0xbc: {  	s0 =	sor.u32 s0, s1  }
0xbd: {  	s0 =	sadd.s32 $0x8F2B, s0  }
0xbe: {  	[sflag:s0] =	ssyncadd.remote.s32 $0x1  }
0xbf: {  	_ =	sfence.sel $0xFFFF  }
0xc0: {  	[dreg:$0x0] =	wrdreg $0xFFFFFFFF;
	(pc) =	sbr.abs _section_cstart, $3  }
0xc1: {  	[dreg:$0x1] =	wrdreg $0xFFFFFFFF  }
0xc2: {  	_ =	task.clear_ibuf [dreg:s7], $0x2FFFF;
	_ =	strace $0x9FFFFFFF  }
0xc3: {  	(tm) =	ssettm $0x7FFFFFFF  }
tec
execute0_lowered:
.L_overlay_start_1:
0x0: {  	(tag) =	ssettag $0x1  }
0x1: {  	s3 =	rddreg [dreg:$0x0]  }
0x2: {  	s5 =	rddreg [dreg:$0x1]  }
0x3: {  	s4 =	rddreg [dreg:$0x2];
	s2 =	simm.s32 $0x0  }
0x4: {  	s1 =	stileid.u32;
	[smem:$0x7FF] =	sst s2  }
0x5: {  	s0 =	rddreg [dreg:$0x3];
	s6 =	sshll.u32 s1, $0x7;
	_ =	strace $0x80000047  }
0x6: {  	[tilespmem:s2], [sflag:$0x1] =	stream.linear.gather [hbm4b:s3+s2], $0x400, $0x38;
	[tilespmem:$0xC00] =	vst v63  }
0x7: {  	s22 =	simm.s32 $0x400;
	s23 =	simm.s32 $0x1;
	s21 =	sadd.s32 s5, s6  }
0x8: {  	[tilespmem:s22], [sflag:$0x2] =	stream.linear.gather [hbm4b:s21+s2], $0x400, $0x38;
	[tilespmem:$0xC00] =	vst v63  }
0x9: {  	_ =	swait.ge [sflag:s23], $0x400  }
0xa: {  	[sflag:s23] =	ssyncset.done $0x0  }
0xb: {  	s24 =	simm.s32 $0x2;
	[sflag:s23] =	ssyncadd.s32 $0xFFFFFC00  }
0xc: {  	_ =	swait.ge [sflag:s24], $0x400  }
0xd: {  	[sflag:s24] =	ssyncset.done $0x0  }
0xe: {  	[sflag:s24] =	ssyncadd.s32 $0xFFFFFC00  }
0xf: {  	v0 =	vld [tilespmem:$0x400];
	_ =	sdelay $0x5  }
0x10: {  	v1 =	vld [tilespmem:$0x410];
	_ =	sdelay $0x1  }
0x11: {  	v0 =	vld.idx.msk [tilespmem:v0+s2+$0x0], $0xffff;
	_ =	sdelay $0x3  }
0x12: {  	v2 =	vld [tilespmem:$0x420]  }
0x13: {  	[tilespmem:$0x800] =	vst v0  }
0x14: {  	v0 =	vld.idx.msk [tilespmem:v1+s2+$0x0], $0xffff;
	_ =	sdelay $0x3  }
0x15: {  	v63 =	vld [tilespmem:$0x430]  }
0x16: {  	[tilespmem:$0x810] =	vst v0  }
0x17: {  	v0 =	vld.idx.msk [tilespmem:v2+s2+$0x0], $0xffff;
	_ =	sdelay $0x3  }
0x18: {  	v4 =	vld [tilespmem:$0x440]  }
0x19: {  	[tilespmem:$0x820] =	vst v0  }
0x1a: {  	v0 =	vld.idx.msk [tilespmem:v63+s2+$0x0], $0xffff;
	_ =	sdelay $0x3  }
0x1b: {  	v5 =	vld [tilespmem:$0x450]  }
0x1c: {  	[tilespmem:$0x830] =	vst v0  }
0x1d: {  	v0 =	vld.idx.msk [tilespmem:v4+s2+$0x0], $0xffff;
	_ =	sdelay $0x3  }
0x1e: {  	v6 =	vld [tilespmem:$0x460]  }
0x1f: {  	[tilespmem:$0x840] =	vst v0  }
0x20: {  	v0 =	vld.idx.msk [tilespmem:v5+s2+$0x0], $0xffff;
	_ =	sdelay $0x3  }
0x21: {  	v7 =	vld [tilespmem:$0x470]  }
0x22: {  	[tilespmem:$0x850] =	vst v0  }
0x23: {  	v0 =	vld.idx.msk [tilespmem:v6+s2+$0x0], $0xffff;
	_ =	sdelay $0x3  }
0x24: {  	v8 =	vld [tilespmem:$0x480]  }
0x25: {  	[tilespmem:$0x860] =	vst v0  }
0x26: {  	v0 =	vld.idx.msk [tilespmem:v7+s2+$0x0], $0xffff;
	_ =	sdelay $0x3  }
0x27: {  	v9 =	vld [tilespmem:$0x490]  }
0x28: {  	[tilespmem:$0x870] =	vst v0  }
0x29: {  	v0 =	vld.idx.msk [tilespmem:v8+s2+$0x0], $0xffff;
	_ =	sdelay $0x3  }
0x2a: {  	v10 =	vld [tilespmem:$0x4A0]  }
0x2b: {  	[tilespmem:$0x880] =	vst v0  }
0x2c: {  	v0 =	vld.idx.msk [tilespmem:v9+s2+$0x0], $0xffff;
	_ =	sdelay $0x3  }
0x2d: {  	v11 =	vld [tilespmem:$0x4B0]  }
0x2e: {  	[tilespmem:$0x890] =	vst v0  }
0x2f: {  	v0 =	vld.idx.msk [tilespmem:v10+s2+$0x0], $0xffff;
	_ =	sdelay $0x3  }
0x30: {  	v12 =	vld [tilespmem:$0x4C0]  }
0x31: {  	[tilespmem:$0x8A0] =	vst v0  }
0x32: {  	v0 =	vld.idx.msk [tilespmem:v11+s2+$0x0], $0xffff;
	_ =	sdelay $0x3  }
0x33: {  	v13 =	vld [tilespmem:$0x4D0]  }
0x34: {  	[tilespmem:$0x8B0] =	vst v0  }
0x35: {  	v0 =	vld.idx.msk [tilespmem:v12+s2+$0x0], $0xffff;
	_ =	sdelay $0x3  }
0x36: {  	v14 =	vld [tilespmem:$0x4E0]  }
0x37: {  	[tilespmem:$0x8C0] =	vst v0  }
0x38: {  	v0 =	vld.idx.msk [tilespmem:v13+s2+$0x0], $0xffff;
	_ =	sdelay $0x3  }
0x39: {  	v15 =	vld [tilespmem:$0x4F0]  }
0x3a: {  	[tilespmem:$0x8D0] =	vst v0  }
0x3b: {  	v0 =	vld.idx.msk [tilespmem:v14+s2+$0x0], $0xffff;
	_ =	sdelay $0x4  }
0x3c: {  	[tilespmem:$0x8E0] =	vst v0  }
0x3d: {  	v0 =	vld.idx.msk [tilespmem:v15+s2+$0x0], $0xffff;
	_ =	sdelay $0x4  }
0x3e: {  	s25 =	simm.s32 $0x800;
	s4 =	sadd.s32 s4, s6;
	[tilespmem:$0x8F0] =	vst v0  }
0x3f: {  	[hbm4b:s4+s2] =	stream.linear.scatter [tilespmem:s25], [sflag:$0x2], $0x100, $0x38;
	[tilespmem:$0xC00] =	vst v63  }
0x40: {  	v16 =	vld [tilespmem:$0x500];
	_ =	sdelay $0x5  }
0x41: {  	v17 =	vld [tilespmem:$0x510];
	_ =	sdelay $0x1  }
0x42: {  	v0 =	vld.idx.msk [tilespmem:v16+s2+$0x0], $0xffff;
	_ =	sdelay $0x3  }
0x43: {  	v18 =	vld [tilespmem:$0x520]  }
0x44: {  	[tilespmem:$0x900] =	vst v0  }
0x45: {  	v0 =	vld.idx.msk [tilespmem:v17+s2+$0x0], $0xffff;
	_ =	sdelay $0x3  }
0x46: {  	v19 =	vld [tilespmem:$0x530]  }
0x47: {  	[tilespmem:$0x910] =	vst v0  }
0x48: {  	v0 =	vld.idx.msk [tilespmem:v18+s2+$0x0], $0xffff;
	_ =	sdelay $0x3  }
0x49: {  	v20 =	vld [tilespmem:$0x540]  }
0x4a: {  	[tilespmem:$0x920] =	vst v0  }
0x4b: {  	v0 =	vld.idx.msk [tilespmem:v19+s2+$0x0], $0xffff;
	_ =	sdelay $0x3  }
0x4c: {  	v21 =	vld [tilespmem:$0x550]  }
0x4d: {  	[tilespmem:$0x930] =	vst v0  }
0x4e: {  	v0 =	vld.idx.msk [tilespmem:v20+s2+$0x0], $0xffff;
	_ =	sdelay $0x3  }
0x4f: {  	v22 =	vld [tilespmem:$0x560]  }
0x50: {  	[tilespmem:$0x940] =	vst v0  }
0x51: {  	v0 =	vld.idx.msk [tilespmem:v21+s2+$0x0], $0xffff;
	_ =	sdelay $0x3  }
0x52: {  	v23 =	vld [tilespmem:$0x570]  }
0x53: {  	[tilespmem:$0x950] =	vst v0  }
0x54: {  	v0 =	vld.idx.msk [tilespmem:v22+s2+$0x0], $0xffff;
	_ =	sdelay $0x3  }
0x55: {  	v24 =	vld [tilespmem:$0x580]  }
0x56: {  	[tilespmem:$0x960] =	vst v0  }
0x57: {  	v0 =	vld.idx.msk [tilespmem:v23+s2+$0x0], $0xffff;
	_ =	sdelay $0x3  }
0x58: {  	v25 =	vld [tilespmem:$0x590]  }
0x59: {  	[tilespmem:$0x970] =	vst v0  }
0x5a: {  	v0 =	vld.idx.msk [tilespmem:v24+s2+$0x0], $0xffff;
	_ =	sdelay $0x3  }
0x5b: {  	v26 =	vld [tilespmem:$0x5A0]  }
0x5c: {  	[tilespmem:$0x980] =	vst v0  }
0x5d: {  	v0 =	vld.idx.msk [tilespmem:v25+s2+$0x0], $0xffff;
	_ =	sdelay $0x3  }
0x5e: {  	v27 =	vld [tilespmem:$0x5B0]  }
0x5f: {  	[tilespmem:$0x990] =	vst v0  }
0x60: {  	v0 =	vld.idx.msk [tilespmem:v26+s2+$0x0], $0xffff;
	_ =	sdelay $0x3  }
0x61: {  	v28 =	vld [tilespmem:$0x5C0]  }
0x62: {  	[tilespmem:$0x9A0] =	vst v0  }
0x63: {  	v0 =	vld.idx.msk [tilespmem:v27+s2+$0x0], $0xffff;
	_ =	sdelay $0x3  }
0x64: {  	v29 =	vld [tilespmem:$0x5D0]  }
0x65: {  	[tilespmem:$0x9B0] =	vst v0  }
0x66: {  	v0 =	vld.idx.msk [tilespmem:v28+s2+$0x0], $0xffff;
	_ =	sdelay $0x3  }
0x67: {  	v30 =	vld [tilespmem:$0x5E0]  }
0x68: {  	[tilespmem:$0x9C0] =	vst v0  }
0x69: {  	v0 =	vld.idx.msk [tilespmem:v29+s2+$0x0], $0xffff;
	_ =	sdelay $0x3  }
0x6a: {  	v31 =	vld [tilespmem:$0x5F0]  }
0x6b: {  	[tilespmem:$0x9D0] =	vst v0  }
0x6c: {  	v0 =	vld.idx.msk [tilespmem:v30+s2+$0x0], $0xffff;
	_ =	sdelay $0x4  }
0x6d: {  	[tilespmem:$0x9E0] =	vst v0  }
0x6e: {  	v0 =	vld.idx.msk [tilespmem:v31+s2+$0x0], $0xffff;
	_ =	sdelay $0x4  }
0x6f: {  	s28 =	simm.s32 $0x900;
	s26 =	sadd.s32 $0x20, s4;
	[tilespmem:$0x9F0] =	vst v0  }
0x70: {  	[hbm4b:s26+s2] =	stream.linear.scatter [tilespmem:s28], [sflag:$0x2], $0x100, $0x38;
	[tilespmem:$0xC00] =	vst v63  }
0x71: {  	v32 =	vld [tilespmem:$0x600];
	_ =	sdelay $0x5  }
0x72: {  	v33 =	vld [tilespmem:$0x610];
	_ =	sdelay $0x1  }
0x73: {  	v0 =	vld.idx.msk [tilespmem:v32+s2+$0x0], $0xffff;
	_ =	sdelay $0x3  }
0x74: {  	v34 =	vld [tilespmem:$0x620]  }
0x75: {  	[tilespmem:$0xA00] =	vst v0  }
0x76: {  	v0 =	vld.idx.msk [tilespmem:v33+s2+$0x0], $0xffff;
	_ =	sdelay $0x3  }
0x77: {  	v35 =	vld [tilespmem:$0x630]  }
0x78: {  	[tilespmem:$0xA10] =	vst v0  }
0x79: {  	v0 =	vld.idx.msk [tilespmem:v34+s2+$0x0], $0xffff;
	_ =	sdelay $0x3  }
0x7a: {  	v36 =	vld [tilespmem:$0x640]  }
0x7b: {  	[tilespmem:$0xA20] =	vst v0  }
0x7c: {  	v0 =	vld.idx.msk [tilespmem:v35+s2+$0x0], $0xffff;
	_ =	sdelay $0x3  }
0x7d: {  	v37 =	vld [tilespmem:$0x650]  }
0x7e: {  	[tilespmem:$0xA30] =	vst v0  }
0x7f: {  	v0 =	vld.idx.msk [tilespmem:v36+s2+$0x0], $0xffff;
	_ =	sdelay $0x3  }
0x80: {  	v38 =	vld [tilespmem:$0x660]  }
0x81: {  	[tilespmem:$0xA40] =	vst v0  }
0x82: {  	v0 =	vld.idx.msk [tilespmem:v37+s2+$0x0], $0xffff;
	_ =	sdelay $0x3  }
0x83: {  	v39 =	vld [tilespmem:$0x670]  }
0x84: {  	[tilespmem:$0xA50] =	vst v0  }
0x85: {  	v0 =	vld.idx.msk [tilespmem:v38+s2+$0x0], $0xffff;
	_ =	sdelay $0x3  }
0x86: {  	v40 =	vld [tilespmem:$0x680]  }
0x87: {  	[tilespmem:$0xA60] =	vst v0  }
0x88: {  	v0 =	vld.idx.msk [tilespmem:v39+s2+$0x0], $0xffff;
	_ =	sdelay $0x3  }
0x89: {  	v41 =	vld [tilespmem:$0x690]  }
0x8a: {  	[tilespmem:$0xA70] =	vst v0  }
0x8b: {  	v0 =	vld.idx.msk [tilespmem:v40+s2+$0x0], $0xffff;
	_ =	sdelay $0x3  }
0x8c: {  	v42 =	vld [tilespmem:$0x6A0]  }
0x8d: {  	[tilespmem:$0xA80] =	vst v0  }
0x8e: {  	v0 =	vld.idx.msk [tilespmem:v41+s2+$0x0], $0xffff;
	_ =	sdelay $0x3  }
0x8f: {  	v43 =	vld [tilespmem:$0x6B0]  }
0x90: {  	[tilespmem:$0xA90] =	vst v0  }
0x91: {  	v0 =	vld.idx.msk [tilespmem:v42+s2+$0x0], $0xffff;
	_ =	sdelay $0x3  }
0x92: {  	v44 =	vld [tilespmem:$0x6C0]  }
0x93: {  	[tilespmem:$0xAA0] =	vst v0  }
0x94: {  	v0 =	vld.idx.msk [tilespmem:v43+s2+$0x0], $0xffff;
	_ =	sdelay $0x3  }
0x95: {  	v45 =	vld [tilespmem:$0x6D0]  }
0x96: {  	[tilespmem:$0xAB0] =	vst v0  }
0x97: {  	v0 =	vld.idx.msk [tilespmem:v44+s2+$0x0], $0xffff;
	_ =	sdelay $0x3  }
0x98: {  	v46 =	vld [tilespmem:$0x6E0]  }
0x99: {  	[tilespmem:$0xAC0] =	vst v0  }
0x9a: {  	v0 =	vld.idx.msk [tilespmem:v45+s2+$0x0], $0xffff;
	_ =	sdelay $0x3  }
0x9b: {  	v47 =	vld [tilespmem:$0x6F0]  }
0x9c: {  	[tilespmem:$0xAD0] =	vst v0  }
0x9d: {  	v0 =	vld.idx.msk [tilespmem:v46+s2+$0x0], $0xffff;
	_ =	sdelay $0x4  }
0x9e: {  	[tilespmem:$0xAE0] =	vst v0  }
0x9f: {  	v0 =	vld.idx.msk [tilespmem:v47+s2+$0x0], $0xffff;
	_ =	sdelay $0x4  }
0xa0: {  	s30 =	simm.s32 $0xA00;
	s29 =	sadd.s32 $0x40, s4;
	[tilespmem:$0xAF0] =	vst v0  }
0xa1: {  	[hbm4b:s29+s2] =	stream.linear.scatter [tilespmem:s30], [sflag:$0x2], $0x100, $0x38;
	[tilespmem:$0xC00] =	vst v63  }
0xa2: {  	v48 =	vld [tilespmem:$0x700];
	_ =	sdelay $0x5  }
0xa3: {  	v49 =	vld [tilespmem:$0x710];
	_ =	sdelay $0x1  }
0xa4: {  	v0 =	vld.idx.msk [tilespmem:v48+s2+$0x0], $0xffff;
	_ =	sdelay $0x3  }
0xa5: {  	v50 =	vld [tilespmem:$0x720]  }
0xa6: {  	[tilespmem:$0xB00] =	vst v0  }
0xa7: {  	v0 =	vld.idx.msk [tilespmem:v49+s2+$0x0], $0xffff;
	_ =	sdelay $0x3  }
0xa8: {  	v51 =	vld [tilespmem:$0x730]  }
0xa9: {  	[tilespmem:$0xB10] =	vst v0  }
0xaa: {  	v0 =	vld.idx.msk [tilespmem:v50+s2+$0x0], $0xffff;
	_ =	sdelay $0x3  }
0xab: {  	v52 =	vld [tilespmem:$0x740]  }
0xac: {  	[tilespmem:$0xB20] =	vst v0  }
0xad: {  	v0 =	vld.idx.msk [tilespmem:v51+s2+$0x0], $0xffff;
	_ =	sdelay $0x3  }
0xae: {  	v53 =	vld [tilespmem:$0x750]  }
0xaf: {  	[tilespmem:$0xB30] =	vst v0  }
0xb0: {  	v0 =	vld.idx.msk [tilespmem:v52+s2+$0x0], $0xffff;
	_ =	sdelay $0x3  }
0xb1: {  	v54 =	vld [tilespmem:$0x760]  }
0xb2: {  	[tilespmem:$0xB40] =	vst v0  }
0xb3: {  	v0 =	vld.idx.msk [tilespmem:v53+s2+$0x0], $0xffff;
	_ =	sdelay $0x3  }
0xb4: {  	v55 =	vld [tilespmem:$0x770]  }
0xb5: {  	[tilespmem:$0xB50] =	vst v0  }
0xb6: {  	v0 =	vld.idx.msk [tilespmem:v54+s2+$0x0], $0xffff;
	_ =	sdelay $0x3  }
0xb7: {  	v56 =	vld [tilespmem:$0x780]  }
0xb8: {  	[tilespmem:$0xB60] =	vst v0  }
0xb9: {  	v0 =	vld.idx.msk [tilespmem:v55+s2+$0x0], $0xffff;
	_ =	sdelay $0x3  }
0xba: {  	v57 =	vld [tilespmem:$0x790]  }
0xbb: {  	[tilespmem:$0xB70] =	vst v0  }
0xbc: {  	v0 =	vld.idx.msk [tilespmem:v56+s2+$0x0], $0xffff;
	_ =	sdelay $0x3  }
0xbd: {  	v58 =	vld [tilespmem:$0x7A0]  }
0xbe: {  	[tilespmem:$0xB80] =	vst v0  }
0xbf: {  	v0 =	vld.idx.msk [tilespmem:v57+s2+$0x0], $0xffff;
	_ =	sdelay $0x3  }
0xc0: {  	v59 =	vld [tilespmem:$0x7B0]  }
0xc1: {  	[tilespmem:$0xB90] =	vst v0  }
0xc2: {  	v0 =	vld.idx.msk [tilespmem:v58+s2+$0x0], $0xffff;
	_ =	sdelay $0x3  }
0xc3: {  	v60 =	vld [tilespmem:$0x7C0]  }
0xc4: {  	[tilespmem:$0xBA0] =	vst v0  }
0xc5: {  	v0 =	vld.idx.msk [tilespmem:v59+s2+$0x0], $0xffff;
	_ =	sdelay $0x3  }
0xc6: {  	v61 =	vld [tilespmem:$0x7D0]  }
0xc7: {  	[tilespmem:$0xBB0] =	vst v0  }
0xc8: {  	v0 =	vld.idx.msk [tilespmem:v60+s2+$0x0], $0xffff;
	_ =	sdelay $0x3  }
0xc9: {  	v62 =	vld [tilespmem:$0x7E0]  }
0xca: {  	[tilespmem:$0xBC0] =	vst v0  }
0xcb: {  	v0 =	vld.idx.msk [tilespmem:v61+s2+$0x0], $0xffff;
	_ =	sdelay $0x3  }
0xcc: {  	v63 =	vld [tilespmem:$0x7F0]  }
0xcd: {  	[tilespmem:$0xBD0] =	vst v0  }
0xce: {  	v0 =	vld.idx.msk [tilespmem:v62+s2+$0x0], $0xffff;
	_ =	sdelay $0x4  }
0xcf: {  	[tilespmem:$0xBE0] =	vst v0  }
0xd0: {  	v0 =	vld.idx.msk [tilespmem:v63+s2+$0x0], $0xffff;
	_ =	sdelay $0x4  }
0xd1: {  	s31 =	simm.s32 $0xB00;
	s4 =	sadd.s32 $0x60, s4;
	[tilespmem:$0xBF0] =	vst v0  }
0xd2: {  	[hbm4b:s4+s2] =	stream.linear.scatter [tilespmem:s31], [sflag:$0x2], $0x100, $0x38;
	[tilespmem:$0xC00] =	vst v63  }
0xd3: {  	_ =	swait.ge [sflag:s24], $0x100  }
0xd4: {  	[sflag:s24] =	ssyncset.done $0x0  }
0xd5: {  	[sflag:s24] =	ssyncadd.s32 $0xFFFFFF00  }
0xd6: {  	_ =	swait.ge [sflag:s24], $0x100  }
0xd7: {  	[sflag:s24] =	ssyncset.done $0x0  }
0xd8: {  	[sflag:s24] =	ssyncadd.s32 $0xFFFFFF00  }
0xd9: {  	_ =	swait.ge [sflag:s24], $0x100  }
0xda: {  	[sflag:s24] =	ssyncset.done $0x0  }
0xdb: {  	[sflag:s24] =	ssyncadd.s32 $0xFFFFFF00  }
0xdc: {  	_ =	swait.ge [sflag:s24], $0x100  }
0xdd: {  	[sflag:s24] =	ssyncset.done $0x0  }
0xde: {  	[sflag:s24] =	ssyncadd.s32 $0xFFFFFF00  }
0xdf: {  	_ =	sfence.sel $0x180000  }
0xe0: {  	[bflag:$0x0] =	sbarrier.arrive $0xFFFF  }
0xe1: {  	p0 =	sne.s32 s1, $0x0;
	_ =	strace $0x90000047  }
0xe2: {  	s0 =	sadd.s32 @!p0 $0x100000, s0;
	[bflag:$0x2] =	sbarrier.arrive $0xFFFF  }
0xe3: {  	[sflag:s0] =	ssyncadd.tile.s32 @!p0 $0x1;
	_ =	shalt  }
.Lfunc_end2:
_tile_overlayer_lowered:
.L_overlay_start_2:
0xe4: {  	(tag) =	ssettag $0x2  }
0xe5: {  	s0 =	rddreg [dreg:$0x0];
	s2 =	stileid.u32  }
0xe6: {  	s1 =	rddreg [dreg:$0x1];
	p0 =	sne.s32 s2, $0x0  }
0xe7: {  	s3 =	rddreg [dreg:$0x2];
	[bflag:$0x3] =	sbarrier.arrive $0xFFFF;
	s2 =	simm.s32 @!p0 $0x1C03  }
0xe8: {  	[timem:s3], [sflag:s2] =	dma.local @!p0 [hbm:s0], s1  }
0xe9: {  	s0 =	simm.s32 @!p0 $0x3  }
0xea: {  	_ =	swait.ge @!p0 [sflag:s0], s1  }
0xeb: {  	s1 =	ssub.s32 @!p0 $0x0, s1;
	[sflag:s0] =	ssyncset.done @!p0 $0x0  }
0xec: {  	[sflag:s0] =	ssyncadd.s32 @!p0 s1  }
0xed: {  	[bflag:$0x3] =	sbarrier.arrive $0xFFFF  }
0xee: {  	_ =	shalt  }

</sc_bundles>
